<compile_context>
chip_gen: v7x
topology: tpu7x:2x2x1
jax: 0.10.2.dev20260603
libtpu: 0.0.44.dev20260713+nightly
codegen_flags: <defaults>
</compile_context>

<pallas_src>
import functools

import jax
import jax.numpy as jnp
from jax import lax
from jax.experimental import pallas as pl
from jax.experimental.pallas import tpu as pltpu
from jax.experimental.pallas import tpu_sc as plsc

_VOCAB = 100000
_BATCH = 4096
_SEQ = 200
_NUM_CORES = 2
_NUM_SUBCORES = 16
_NW = _NUM_CORES * _NUM_SUBCORES
_COLS_W = _BATCH // _NW
_CHUNK_ROWS = (72, 72, 56)
_BUF_ROWS = 72
_LANES = 16

_mesh = plsc.VectorSubcoreMesh(core_axis_name="c", subcore_axis_name="s")


@functools.partial(
    pl.kernel,
    mesh=_mesh,
    out_type=jax.ShapeDtypeStruct((_SEQ, _BATCH), jnp.int32),
    scratch_types=[
        pltpu.VMEM_SHARED((_VOCAB,), jnp.int32),
        pltpu.VMEM((_VOCAB,), jnp.int32),
        pltpu.VMEM((_BUF_ROWS, _COLS_W), jnp.int32),
        pltpu.VMEM((_BUF_ROWS, _COLS_W), jnp.int32),
        pltpu.SemaphoreType.DMA,
        pltpu.SemaphoreType.DMA,
        pltpu.SemaphoreType.DMA,
        pltpu.SemaphoreType.DMA,
        pltpu.SemaphoreType.DMA,
    ],
    compiler_params=pltpu.CompilerParams(needs_layout_passes=False),
)
def _lookup(
    tokens_hbm,
    vocab_hbm,
    out_hbm,
    vocab_sh,
    vocab_v,
    buf_a,
    buf_b,
    sem_va,
    sem_ia,
    sem_ib,
    sem_oa,
    sem_ob,
):
    sid = lax.axis_index("s")
    wid = sid * _NUM_CORES + lax.axis_index("c")
    col0 = wid * _COLS_W
    bufs = (buf_a, buf_b)
    in_sems = (sem_ia, sem_ib)
    out_sems = (sem_oa, sem_ob)

    def tok_src(c):
        r0 = sum(_CHUNK_ROWS[:c])
        return tokens_hbm.at[pl.ds(r0, _CHUNK_ROWS[c]), pl.ds(col0, _COLS_W)]

    def out_dst(c):
        r0 = sum(_CHUNK_ROWS[:c])
        return out_hbm.at[pl.ds(r0, _CHUNK_ROWS[c]), pl.ds(col0, _COLS_W)]

    def buf_of(c):
        return bufs[c % 2].at[pl.ds(0, _CHUNK_ROWS[c])]

    cp_in0 = pltpu.async_copy(tok_src(0), buf_of(0), in_sems[0])
    cp_in1 = pltpu.async_copy(tok_src(1), buf_of(1), in_sems[1])

    @pl.when(sid == 0)
    def _stage_vocab():
        pltpu.sync_copy(vocab_hbm, vocab_sh)

    plsc.subcore_barrier()
    cp_v = pltpu.async_copy(vocab_sh, vocab_v, sem_va)
    cp_v.wait()

    def gather_chunk(c):
        buf = bufs[c % 2]

        @plsc.parallel_loop(0, _CHUNK_ROWS[c] * _COLS_W // _LANES, unroll=8)
        def _gather(i):
            pos = i * _LANES + jnp.arange(_LANES, dtype=jnp.int32)
            r = pos >> 7
            col = pos & (_COLS_W - 1)
            toks = plsc.load_gather(buf, [r, col])
            plsc.store_scatter(buf, [r, col], plsc.load_gather(vocab_v, [toks]))

    cp_in0.wait()
    gather_chunk(0)
    cp_out0 = pltpu.async_copy(buf_of(0), out_dst(0), out_sems[0])

    cp_in1.wait()
    gather_chunk(1)
    cp_out1 = pltpu.async_copy(buf_of(1), out_dst(1), out_sems[1])

    cp_out0.wait()
    cp_in2 = pltpu.async_copy(tok_src(2), buf_of(2), in_sems[0])
    cp_in2.wait()
    gather_chunk(2)
    cp_out2 = pltpu.async_copy(buf_of(2), out_dst(2), out_sems[0])

    cp_out1.wait()
    cp_out2.wait()


def kernel(tokens, vocab_map):
    return _lookup(tokens.T, vocab_map).T

# --- scband reference (transcript-rebuilt; emitter-appended) ---
"""Pipeline reference for scband-vectorizer-50818053047055 (READ-ONLY COPY).

The authoritative reference and input builder live on the scoring server;
editing this copy changes nothing except your own understanding.
"""

import jax, jax.numpy as jnp
import numpy as np

VOCAB_SIZE = 100000
SEQ_LEN = 200
BATCH = 4096


def setup_inputs(seed: int = 0) -> dict:
    key = jax.random.key(seed)
    k1, k2 = jax.random.split(key)
    # Pre-tokenized raw token ids (strings cannot be represented in jax; we model
    # the post-tokenization hash ids that TextVectorization would look up).
    tokens = jax.random.randint(k1, (BATCH, SEQ_LEN), 0, VOCAB_SIZE, dtype=jnp.int32)
    # Vocabulary hash table: maps raw token id -> vocab index in [0, vocab_size).
    # Index 0 is reserved for padding, 1 for OOV, mirroring TextVectorization.
    vocab_map = jax.random.randint(k2, (VOCAB_SIZE,), 0, VOCAB_SIZE, dtype=jnp.int32)
    return {"tokens": tokens, "vocab_map": vocab_map}


def reference(tokens, vocab_map):
    # TextVectorization(output_mode='int'): lookup each token in the vocab table
    # (gather), then pad/truncate to output_sequence_length.
    ids = jnp.take(vocab_map, tokens, axis=0)
    # Truncate to sequence_length (inputs already at SEQ_LEN; pad path is a no-op here)
    ids = ids[:, :SEQ_LEN]
    # OOV handling: any raw token outside the adapted vocab maps to index 1
    ids = jnp.where(tokens >= VOCAB_SIZE, jnp.int32(1), ids)
    return ids

if __name__ == "__main__":
    import jax
    _d = setup_inputs()
    print(jax.jit(kernel)(*tuple(_d.values())))

</pallas_src>

<mosaic_0001>
#map = affine_map<(d0, d1) -> (0, 0)>
#map1 = affine_map<(d0, d1) -> (0)>
module attributes {stable_mosaic.version = 14 : i64} {
  func.func @_lookup(%arg0: i32, %arg1: i32, %arg2: memref<200x4096xi32, #tpu.memory_space<hbm>>, %arg3: memref<100000xi32, #tpu.memory_space<hbm>>, %arg4: memref<200x4096xi32, #tpu.memory_space<hbm>>, %arg5: memref<100000xi32, #tpu.memory_space<vmem_shared>>, %arg6: memref<100000xi32, #tpu.memory_space<vmem>>, %arg7: memref<72x128xi32, #tpu.memory_space<vmem>>, %arg8: memref<72x128xi32, #tpu.memory_space<vmem>>, %arg9: memref<!tpu.dma_semaphore, #tpu.memory_space<semaphore_mem>>, %arg10: memref<!tpu.dma_semaphore, #tpu.memory_space<semaphore_mem>>, %arg11: memref<!tpu.dma_semaphore, #tpu.memory_space<semaphore_mem>>, %arg12: memref<!tpu.dma_semaphore, #tpu.memory_space<semaphore_mem>>, %arg13: memref<!tpu.dma_semaphore, #tpu.memory_space<semaphore_mem>>) attributes {dimension_semantics = [#tpu.dimension_semantics<core_parallel>, #tpu.dimension_semantics<subcore_parallel>], iteration_bounds = array<i64: 2, 16>, scalar_prefetch = 0 : i64, scratch_operands = 9 : i64, tpu.core_type = #tpu.core_type<sc_vector_subcore>, window_params = [{transform_indices = #map}, {transform_indices = #map1}, {transform_indices = #map}]} {
    %mul3A = arith.constant 2 : i32
    %mul3A_0 = arith.muli %arg1, %mul3A : i32
    %add3A = arith.addi %mul3A_0, %arg0 : i32
    %mul3A_1 = arith.constant 128 : i32
    %mul3A_2 = arith.muli %add3A, %mul3A_1 : i32
    %dma_start3A = arith.constant 0 : i32
    %dma_start3A_3 = arith.constant 0 : i32
    %dma_start3A_4 = tpu.memref_slice %arg7[%dma_start3A, %dma_start3A_3] : memref<72x128xi32, #tpu.memory_space<vmem>> -> memref<72x128xi32, #tpu.memory_space<vmem>>
    %dma_start3A_5 = arith.constant 0 : i32
    %dma_start3A_6 = tpu.memref_slice %arg2[%dma_start3A_5, %mul3A_2] : memref<200x4096xi32, #tpu.memory_space<hbm>> -> memref<72x128xi32, #tpu.memory_space<hbm>>
    %dma_start3A_7 = arith.constant 0 : i32
    %dma_start3A_8 = arith.constant 0 : i32
    %dma_start3A_9 = tpu.memref_slice %arg7[%dma_start3A_7, %dma_start3A_8] : memref<72x128xi32, #tpu.memory_space<vmem>> -> memref<72x128xi32, #tpu.memory_space<vmem>>
    %dma_start3A_10 = arith.constant 0 : i32
    %dma_start3A_11 = tpu.memref_slice %arg2[%dma_start3A_10, %mul3A_2] : memref<200x4096xi32, #tpu.memory_space<hbm>> -> memref<72x128xi32, #tpu.memory_space<hbm>>
    tpu.enqueue_dma source(%dma_start3A_11 : memref<72x128xi32, #tpu.memory_space<hbm>>) target(%dma_start3A_9 : memref<72x128xi32, #tpu.memory_space<vmem>>) target_semaphore(%arg10 : memref<!tpu.dma_semaphore, #tpu.memory_space<semaphore_mem>>)
    %dma_start3A_12 = arith.constant 0 : i32
    %dma_start3A_13 = arith.constant 0 : i32
    %dma_start3A_14 = tpu.memref_slice %arg8[%dma_start3A_12, %dma_start3A_13] : memref<72x128xi32, #tpu.memory_space<vmem>> -> memref<72x128xi32, #tpu.memory_space<vmem>>
    %dma_start3A_15 = arith.constant 72 : i32
    %dma_start3A_16 = tpu.memref_slice %arg2[%dma_start3A_15, %mul3A_2] : memref<200x4096xi32, #tpu.memory_space<hbm>> -> memref<72x128xi32, #tpu.memory_space<hbm>>
    %dma_start3A_17 = arith.constant 0 : i32
    %dma_start3A_18 = arith.constant 0 : i32
    %dma_start3A_19 = tpu.memref_slice %arg8[%dma_start3A_17, %dma_start3A_18] : memref<72x128xi32, #tpu.memory_space<vmem>> -> memref<72x128xi32, #tpu.memory_space<vmem>>
    %dma_start3A_20 = arith.constant 72 : i32
    %dma_start3A_21 = tpu.memref_slice %arg2[%dma_start3A_20, %mul3A_2] : memref<200x4096xi32, #tpu.memory_space<hbm>> -> memref<72x128xi32, #tpu.memory_space<hbm>>
    tpu.enqueue_dma source(%dma_start3A_21 : memref<72x128xi32, #tpu.memory_space<hbm>>) target(%dma_start3A_19 : memref<72x128xi32, #tpu.memory_space<vmem>>) target_semaphore(%arg11 : memref<!tpu.dma_semaphore, #tpu.memory_space<semaphore_mem>>)
    %eq3A = arith.constant 0 : i32
    %eq3A_22 = arith.cmpi eq, %arg1, %eq3A : i32
    %convert_element_type3A = arith.extui %eq3A_22 : i1 to i32
    %cond3A = arith.constant 0 : i32
    %cond3A_23 = arith.cmpi ne, %convert_element_type3A, %cond3A : i32
    scf.if %cond3A_23 {
      "tpu.region"() ({
        %run_scoped3A = tpu.sem_alloc : memref<!tpu.dma_semaphore, #tpu.memory_space<semaphore_mem>>
        tpu.enqueue_dma source(%arg3 : memref<100000xi32, #tpu.memory_space<hbm>>) target(%arg5 : memref<100000xi32, #tpu.memory_space<vmem_shared>>) target_semaphore(%run_scoped3A : memref<!tpu.dma_semaphore, #tpu.memory_space<semaphore_mem>>)
        tpu.wait_dma2 semaphore(%run_scoped3A : memref<!tpu.dma_semaphore, #tpu.memory_space<semaphore_mem>>) src(%arg3 : memref<100000xi32, #tpu.memory_space<hbm>>) dst(%arg5 : memref<100000xi32, #tpu.memory_space<vmem_shared>>)
        tpu.yield
      }) : () -> ()
    } else {
    }
    %barrier3A = arith.constant 0 : index
    tpu.barrier barrier_id(%barrier3A)
    tpu.enqueue_dma source(%arg5 : memref<100000xi32, #tpu.memory_space<vmem_shared>>) target(%arg6 : memref<100000xi32, #tpu.memory_space<vmem>>) target_semaphore(%arg9 : memref<!tpu.dma_semaphore, #tpu.memory_space<semaphore_mem>>)
    tpu.wait_dma2 semaphore(%arg9 : memref<!tpu.dma_semaphore, #tpu.memory_space<semaphore_mem>>) src(%arg5 : memref<100000xi32, #tpu.memory_space<vmem_shared>>) dst(%arg6 : memref<100000xi32, #tpu.memory_space<vmem>>)
    %dma_wait3A = arith.constant 0 : i32
    %dma_wait3A_24 = arith.constant 0 : i32
    %dma_wait3A_25 = tpu.memref_slice %arg7[%dma_wait3A, %dma_wait3A_24] : memref<72x128xi32, #tpu.memory_space<vmem>> -> memref<72x128xi32, #tpu.memory_space<vmem>>
    %dma_wait3A_26 = arith.constant 0 : i32
    %dma_wait3A_27 = tpu.memref_slice %arg2[%dma_wait3A_26, %mul3A_2] : memref<200x4096xi32, #tpu.memory_space<hbm>> -> memref<72x128xi32, #tpu.memory_space<hbm>>
    %dma_wait3A_28 = arith.constant 0 : i32
    %dma_wait3A_29 = arith.constant 0 : i32
    %dma_wait3A_30 = tpu.memref_slice %arg7[%dma_wait3A_28, %dma_wait3A_29] : memref<72x128xi32, #tpu.memory_space<vmem>> -> memref<72x128xi32, #tpu.memory_space<vmem>>
    %dma_wait3A_31 = arith.constant 0 : i32
    %dma_wait3A_32 = tpu.memref_slice %arg2[%dma_wait3A_31, %mul3A_2] : memref<200x4096xi32, #tpu.memory_space<hbm>> -> memref<72x128xi32, #tpu.memory_space<hbm>>
    tpu.wait_dma2 semaphore(%arg10 : memref<!tpu.dma_semaphore, #tpu.memory_space<semaphore_mem>>) src(%dma_wait3A_32 : memref<72x128xi32, #tpu.memory_space<hbm>>) dst(%dma_wait3A_30 : memref<72x128xi32, #tpu.memory_space<vmem>>)
    %parallel_loop3A = arith.constant 0 : i32
    %parallel_loop3A_33 = arith.constant 576 : i32
    %parallel_loop3A_34 = arith.constant 1 : i32
    scf.for %parallel_loop3A_131 = %parallel_loop3A to %parallel_loop3A_33 step %parallel_loop3A_34  : i32 {
      %parallel_loop3A_132 = arith.constant 16 : i32
      %parallel_loop3A_133 = arith.muli %parallel_loop3A_131, %parallel_loop3A_132 : i32
      %parallel_loop3A_134 = tpu.iota {dimensions = array<i32: 0>} : vector<16xi32>
      %parallel_loop3A_135 = vector.broadcast %parallel_loop3A_133 : i32 to vector<16xi32>
      %parallel_loop3A_136 = arith.addi %parallel_loop3A_135, %parallel_loop3A_134 : vector<16xi32>
      %parallel_loop3A_137 = arith.constant 7 : i32
      %parallel_loop3A_138 = vector.broadcast %parallel_loop3A_137 : i32 to vector<16xi32>
      %parallel_loop3A_139 = arith.shrsi %parallel_loop3A_136, %parallel_loop3A_138 : vector<16xi32>
      %parallel_loop3A_140 = arith.constant 127 : i32
      %parallel_loop3A_141 = vector.broadcast %parallel_loop3A_140 : i32 to vector<16xi32>
      %parallel_loop3A_142 = arith.andi %parallel_loop3A_136, %parallel_loop3A_141 : vector<16xi32>
      %parallel_loop3A_143 = tpu.vector_load_idx %arg7[%parallel_loop3A_139, %parallel_loop3A_142] : memref<72x128xi32, #tpu.memory_space<vmem>>[vector<16xi32>, vector<16xi32>], vector<16xi32>,
      %parallel_loop3A_144 = tpu.vector_load_idx %arg6[%parallel_loop3A_143] : memref<100000xi32, #tpu.memory_space<vmem>>[vector<16xi32>], vector<16xi32>,
      tpu.vector_store_idx %arg7[%parallel_loop3A_139, %parallel_loop3A_142], %parallel_loop3A_144 : memref<72x128xi32, #tpu.memory_space<vmem>>[vector<16xi32>, vector<16xi32>], vector<16xi32>,
    } {sc.loop_unroll_factor = 8 : i64, sc.parallel_access}
    %dma_start3A_35 = arith.constant 0 : i32
    %dma_start3A_36 = arith.constant 0 : i32
    %dma_start3A_37 = tpu.memref_slice %arg7[%dma_start3A_35, %dma_start3A_36] : memref<72x128xi32, #tpu.memory_space<vmem>> -> memref<72x128xi32, #tpu.memory_space<vmem>>
    %dma_start3A_38 = arith.constant 0 : i32
    %dma_start3A_39 = tpu.memref_slice %arg4[%dma_start3A_38, %mul3A_2] : memref<200x4096xi32, #tpu.memory_space<hbm>> -> memref<72x128xi32, #tpu.memory_space<hbm>>
    %dma_start3A_40 = arith.constant 0 : i32
    %dma_start3A_41 = tpu.memref_slice %arg4[%dma_start3A_40, %mul3A_2] : memref<200x4096xi32, #tpu.memory_space<hbm>> -> memref<72x128xi32, #tpu.memory_space<hbm>>
    %dma_start3A_42 = arith.constant 0 : i32
    %dma_start3A_43 = arith.constant 0 : i32
    %dma_start3A_44 = tpu.memref_slice %arg7[%dma_start3A_42, %dma_start3A_43] : memref<72x128xi32, #tpu.memory_space<vmem>> -> memref<72x128xi32, #tpu.memory_space<vmem>>
    tpu.enqueue_dma source(%dma_start3A_44 : memref<72x128xi32, #tpu.memory_space<vmem>>) target(%dma_start3A_41 : memref<72x128xi32, #tpu.memory_space<hbm>>) target_semaphore(%arg12 : memref<!tpu.dma_semaphore, #tpu.memory_space<semaphore_mem>>)
    %dma_wait3A_45 = arith.constant 0 : i32
    %dma_wait3A_46 = arith.constant 0 : i32
    %dma_wait3A_47 = tpu.memref_slice %arg8[%dma_wait3A_45, %dma_wait3A_46] : memref<72x128xi32, #tpu.memory_space<vmem>> -> memref<72x128xi32, #tpu.memory_space<vmem>>
    %dma_wait3A_48 = arith.constant 72 : i32
    %dma_wait3A_49 = tpu.memref_slice %arg2[%dma_wait3A_48, %mul3A_2] : memref<200x4096xi32, #tpu.memory_space<hbm>> -> memref<72x128xi32, #tpu.memory_space<hbm>>
    %dma_wait3A_50 = arith.constant 0 : i32
    %dma_wait3A_51 = arith.constant 0 : i32
    %dma_wait3A_52 = tpu.memref_slice %arg8[%dma_wait3A_50, %dma_wait3A_51] : memref<72x128xi32, #tpu.memory_space<vmem>> -> memref<72x128xi32, #tpu.memory_space<vmem>>
    %dma_wait3A_53 = arith.constant 72 : i32
    %dma_wait3A_54 = tpu.memref_slice %arg2[%dma_wait3A_53, %mul3A_2] : memref<200x4096xi32, #tpu.memory_space<hbm>> -> memref<72x128xi32, #tpu.memory_space<hbm>>
    tpu.wait_dma2 semaphore(%arg11 : memref<!tpu.dma_semaphore, #tpu.memory_space<semaphore_mem>>) src(%dma_wait3A_54 : memref<72x128xi32, #tpu.memory_space<hbm>>) dst(%dma_wait3A_52 : memref<72x128xi32, #tpu.memory_space<vmem>>)
    %parallel_loop3A_55 = arith.constant 0 : i32
    %parallel_loop3A_56 = arith.constant 576 : i32
    %parallel_loop3A_57 = arith.constant 1 : i32
    scf.for %parallel_loop3A_131 = %parallel_loop3A_55 to %parallel_loop3A_56 step %parallel_loop3A_57  : i32 {
      %parallel_loop3A_132 = arith.constant 16 : i32
      %parallel_loop3A_133 = arith.muli %parallel_loop3A_131, %parallel_loop3A_132 : i32
      %parallel_loop3A_134 = tpu.iota {dimensions = array<i32: 0>} : vector<16xi32>
      %parallel_loop3A_135 = vector.broadcast %parallel_loop3A_133 : i32 to vector<16xi32>
      %parallel_loop3A_136 = arith.addi %parallel_loop3A_135, %parallel_loop3A_134 : vector<16xi32>
      %parallel_loop3A_137 = arith.constant 7 : i32
      %parallel_loop3A_138 = vector.broadcast %parallel_loop3A_137 : i32 to vector<16xi32>
      %parallel_loop3A_139 = arith.shrsi %parallel_loop3A_136, %parallel_loop3A_138 : vector<16xi32>
      %parallel_loop3A_140 = arith.constant 127 : i32
      %parallel_loop3A_141 = vector.broadcast %parallel_loop3A_140 : i32 to vector<16xi32>
      %parallel_loop3A_142 = arith.andi %parallel_loop3A_136, %parallel_loop3A_141 : vector<16xi32>
      %parallel_loop3A_143 = tpu.vector_load_idx %arg8[%parallel_loop3A_139, %parallel_loop3A_142] : memref<72x128xi32, #tpu.memory_space<vmem>>[vector<16xi32>, vector<16xi32>], vector<16xi32>,
      %parallel_loop3A_144 = tpu.vector_load_idx %arg6[%parallel_loop3A_143] : memref<100000xi32, #tpu.memory_space<vmem>>[vector<16xi32>], vector<16xi32>,
      tpu.vector_store_idx %arg8[%parallel_loop3A_139, %parallel_loop3A_142], %parallel_loop3A_144 : memref<72x128xi32, #tpu.memory_space<vmem>>[vector<16xi32>, vector<16xi32>], vector<16xi32>,
    } {sc.loop_unroll_factor = 8 : i64, sc.parallel_access}
    %dma_start3A_58 = arith.constant 0 : i32
    %dma_start3A_59 = arith.constant 0 : i32
    %dma_start3A_60 = tpu.memref_slice %arg8[%dma_start3A_58, %dma_start3A_59] : memref<72x128xi32, #tpu.memory_space<vmem>> -> memref<72x128xi32, #tpu.memory_space<vmem>>
    %dma_start3A_61 = arith.constant 72 : i32
    %dma_start3A_62 = tpu.memref_slice %arg4[%dma_start3A_61, %mul3A_2] : memref<200x4096xi32, #tpu.memory_space<hbm>> -> memref<72x128xi32, #tpu.memory_space<hbm>>
    %dma_start3A_63 = arith.constant 72 : i32
    %dma_start3A_64 = tpu.memref_slice %arg4[%dma_start3A_63, %mul3A_2] : memref<200x4096xi32, #tpu.memory_space<hbm>> -> memref<72x128xi32, #tpu.memory_space<hbm>>
    %dma_start3A_65 = arith.constant 0 : i32
    %dma_start3A_66 = arith.constant 0 : i32
    %dma_start3A_67 = tpu.memref_slice %arg8[%dma_start3A_65, %dma_start3A_66] : memref<72x128xi32, #tpu.memory_space<vmem>> -> memref<72x128xi32, #tpu.memory_space<vmem>>
    tpu.enqueue_dma source(%dma_start3A_67 : memref<72x128xi32, #tpu.memory_space<vmem>>) target(%dma_start3A_64 : memref<72x128xi32, #tpu.memory_space<hbm>>) target_semaphore(%arg13 : memref<!tpu.dma_semaphore, #tpu.memory_space<semaphore_mem>>)
    %dma_wait3A_68 = arith.constant 0 : i32
    %dma_wait3A_69 = arith.constant 0 : i32
    %dma_wait3A_70 = tpu.memref_slice %arg7[%dma_wait3A_68, %dma_wait3A_69] : memref<72x128xi32, #tpu.memory_space<vmem>> -> memref<72x128xi32, #tpu.memory_space<vmem>>
    %dma_wait3A_71 = arith.constant 0 : i32
    %dma_wait3A_72 = tpu.memref_slice %arg4[%dma_wait3A_71, %mul3A_2] : memref<200x4096xi32, #tpu.memory_space<hbm>> -> memref<72x128xi32, #tpu.memory_space<hbm>>
    %dma_wait3A_73 = arith.constant 0 : i32
    %dma_wait3A_74 = tpu.memref_slice %arg4[%dma_wait3A_73, %mul3A_2] : memref<200x4096xi32, #tpu.memory_space<hbm>> -> memref<72x128xi32, #tpu.memory_space<hbm>>
    %dma_wait3A_75 = arith.constant 0 : i32
    %dma_wait3A_76 = arith.constant 0 : i32
    %dma_wait3A_77 = tpu.memref_slice %arg7[%dma_wait3A_75, %dma_wait3A_76] : memref<72x128xi32, #tpu.memory_space<vmem>> -> memref<72x128xi32, #tpu.memory_space<vmem>>
    tpu.wait_dma2 semaphore(%arg12 : memref<!tpu.dma_semaphore, #tpu.memory_space<semaphore_mem>>) src(%dma_wait3A_77 : memref<72x128xi32, #tpu.memory_space<vmem>>) dst(%dma_wait3A_74 : memref<72x128xi32, #tpu.memory_space<hbm>>)
    %dma_start3A_78 = arith.constant 0 : i32
    %dma_start3A_79 = arith.constant 0 : i32
    %dma_start3A_80 = tpu.memref_slice %arg7[%dma_start3A_78, %dma_start3A_79] : memref<72x128xi32, #tpu.memory_space<vmem>> -> memref<56x128xi32, #tpu.memory_space<vmem>>
    %dma_start3A_81 = arith.constant 144 : i32
    %dma_start3A_82 = tpu.memref_slice %arg2[%dma_start3A_81, %mul3A_2] : memref<200x4096xi32, #tpu.memory_space<hbm>> -> memref<56x128xi32, #tpu.memory_space<hbm>>
    %dma_start3A_83 = arith.constant 0 : i32
    %dma_start3A_84 = arith.constant 0 : i32
    %dma_start3A_85 = tpu.memref_slice %arg7[%dma_start3A_83, %dma_start3A_84] : memref<72x128xi32, #tpu.memory_space<vmem>> -> memref<56x128xi32, #tpu.memory_space<vmem>>
    %dma_start3A_86 = arith.constant 144 : i32
    %dma_start3A_87 = tpu.memref_slice %arg2[%dma_start3A_86, %mul3A_2] : memref<200x4096xi32, #tpu.memory_space<hbm>> -> memref<56x128xi32, #tpu.memory_space<hbm>>
    tpu.enqueue_dma source(%dma_start3A_87 : memref<56x128xi32, #tpu.memory_space<hbm>>) target(%dma_start3A_85 : memref<56x128xi32, #tpu.memory_space<vmem>>) target_semaphore(%arg10 : memref<!tpu.dma_semaphore, #tpu.memory_space<semaphore_mem>>)
    %dma_wait3A_88 = arith.constant 0 : i32
    %dma_wait3A_89 = arith.constant 0 : i32
    %dma_wait3A_90 = tpu.memref_slice %arg7[%dma_wait3A_88, %dma_wait3A_89] : memref<72x128xi32, #tpu.memory_space<vmem>> -> memref<56x128xi32, #tpu.memory_space<vmem>>
    %dma_wait3A_91 = arith.constant 144 : i32
    %dma_wait3A_92 = tpu.memref_slice %arg2[%dma_wait3A_91, %mul3A_2] : memref<200x4096xi32, #tpu.memory_space<hbm>> -> memref<56x128xi32, #tpu.memory_space<hbm>>
    %dma_wait3A_93 = arith.constant 0 : i32
    %dma_wait3A_94 = arith.constant 0 : i32
    %dma_wait3A_95 = tpu.memref_slice %arg7[%dma_wait3A_93, %dma_wait3A_94] : memref<72x128xi32, #tpu.memory_space<vmem>> -> memref<56x128xi32, #tpu.memory_space<vmem>>
    %dma_wait3A_96 = arith.constant 144 : i32
    %dma_wait3A_97 = tpu.memref_slice %arg2[%dma_wait3A_96, %mul3A_2] : memref<200x4096xi32, #tpu.memory_space<hbm>> -> memref<56x128xi32, #tpu.memory_space<hbm>>
    tpu.wait_dma2 semaphore(%arg10 : memref<!tpu.dma_semaphore, #tpu.memory_space<semaphore_mem>>) src(%dma_wait3A_97 : memref<56x128xi32, #tpu.memory_space<hbm>>) dst(%dma_wait3A_95 : memref<56x128xi32, #tpu.memory_space<vmem>>)
    %parallel_loop3A_98 = arith.constant 0 : i32
    %parallel_loop3A_99 = arith.constant 448 : i32
    %parallel_loop3A_100 = arith.constant 1 : i32
    scf.for %parallel_loop3A_131 = %parallel_loop3A_98 to %parallel_loop3A_99 step %parallel_loop3A_100  : i32 {
      %parallel_loop3A_132 = arith.constant 16 : i32
      %parallel_loop3A_133 = arith.muli %parallel_loop3A_131, %parallel_loop3A_132 : i32
      %parallel_loop3A_134 = tpu.iota {dimensions = array<i32: 0>} : vector<16xi32>
      %parallel_loop3A_135 = vector.broadcast %parallel_loop3A_133 : i32 to vector<16xi32>
      %parallel_loop3A_136 = arith.addi %parallel_loop3A_135, %parallel_loop3A_134 : vector<16xi32>
      %parallel_loop3A_137 = arith.constant 7 : i32
      %parallel_loop3A_138 = vector.broadcast %parallel_loop3A_137 : i32 to vector<16xi32>
      %parallel_loop3A_139 = arith.shrsi %parallel_loop3A_136, %parallel_loop3A_138 : vector<16xi32>
      %parallel_loop3A_140 = arith.constant 127 : i32
      %parallel_loop3A_141 = vector.broadcast %parallel_loop3A_140 : i32 to vector<16xi32>
      %parallel_loop3A_142 = arith.andi %parallel_loop3A_136, %parallel_loop3A_141 : vector<16xi32>
      %parallel_loop3A_143 = tpu.vector_load_idx %arg7[%parallel_loop3A_139, %parallel_loop3A_142] : memref<72x128xi32, #tpu.memory_space<vmem>>[vector<16xi32>, vector<16xi32>], vector<16xi32>,
      %parallel_loop3A_144 = tpu.vector_load_idx %arg6[%parallel_loop3A_143] : memref<100000xi32, #tpu.memory_space<vmem>>[vector<16xi32>], vector<16xi32>,
      tpu.vector_store_idx %arg7[%parallel_loop3A_139, %parallel_loop3A_142], %parallel_loop3A_144 : memref<72x128xi32, #tpu.memory_space<vmem>>[vector<16xi32>, vector<16xi32>], vector<16xi32>,
    } {sc.loop_unroll_factor = 8 : i64, sc.parallel_access}
    %dma_start3A_101 = arith.constant 0 : i32
    %dma_start3A_102 = arith.constant 0 : i32
    %dma_start3A_103 = tpu.memref_slice %arg7[%dma_start3A_101, %dma_start3A_102] : memref<72x128xi32, #tpu.memory_space<vmem>> -> memref<56x128xi32, #tpu.memory_space<vmem>>
    %dma_start3A_104 = arith.constant 144 : i32
    %dma_start3A_105 = tpu.memref_slice %arg4[%dma_start3A_104, %mul3A_2] : memref<200x4096xi32, #tpu.memory_space<hbm>> -> memref<56x128xi32, #tpu.memory_space<hbm>>
    %dma_start3A_106 = arith.constant 144 : i32
    %dma_start3A_107 = tpu.memref_slice %arg4[%dma_start3A_106, %mul3A_2] : memref<200x4096xi32, #tpu.memory_space<hbm>> -> memref<56x128xi32, #tpu.memory_space<hbm>>
    %dma_start3A_108 = arith.constant 0 : i32
    %dma_start3A_109 = arith.constant 0 : i32
    %dma_start3A_110 = tpu.memref_slice %arg7[%dma_start3A_108, %dma_start3A_109] : memref<72x128xi32, #tpu.memory_space<vmem>> -> memref<56x128xi32, #tpu.memory_space<vmem>>
    tpu.enqueue_dma source(%dma_start3A_110 : memref<56x128xi32, #tpu.memory_space<vmem>>) target(%dma_start3A_107 : memref<56x128xi32, #tpu.memory_space<hbm>>) target_semaphore(%arg12 : memref<!tpu.dma_semaphore, #tpu.memory_space<semaphore_mem>>)
    %dma_wait3A_111 = arith.constant 0 : i32
    %dma_wait3A_112 = arith.constant 0 : i32
    %dma_wait3A_113 = tpu.memref_slice %arg8[%dma_wait3A_111, %dma_wait3A_112] : memref<72x128xi32, #tpu.memory_space<vmem>> -> memref<72x128xi32, #tpu.memory_space<vmem>>
    %dma_wait3A_114 = arith.constant 72 : i32
    %dma_wait3A_115 = tpu.memref_slice %arg4[%dma_wait3A_114, %mul3A_2] : memref<200x4096xi32, #tpu.memory_space<hbm>> -> memref<72x128xi32, #tpu.memory_space<hbm>>
    %dma_wait3A_116 = arith.constant 72 : i32
    %dma_wait3A_117 = tpu.memref_slice %arg4[%dma_wait3A_116, %mul3A_2] : memref<200x4096xi32, #tpu.memory_space<hbm>> -> memref<72x128xi32, #tpu.memory_space<hbm>>
    %dma_wait3A_118 = arith.constant 0 : i32
    %dma_wait3A_119 = arith.constant 0 : i32
    %dma_wait3A_120 = tpu.memref_slice %arg8[%dma_wait3A_118, %dma_wait3A_119] : memref<72x128xi32, #tpu.memory_space<vmem>> -> memref<72x128xi32, #tpu.memory_space<vmem>>
    tpu.wait_dma2 semaphore(%arg13 : memref<!tpu.dma_semaphore, #tpu.memory_space<semaphore_mem>>) src(%dma_wait3A_120 : memref<72x128xi32, #tpu.memory_space<vmem>>) dst(%dma_wait3A_117 : memref<72x128xi32, #tpu.memory_space<hbm>>)
    %dma_wait3A_121 = arith.constant 0 : i32
    %dma_wait3A_122 = arith.constant 0 : i32
    %dma_wait3A_123 = tpu.memref_slice %arg7[%dma_wait3A_121, %dma_wait3A_122] : memref<72x128xi32, #tpu.memory_space<vmem>> -> memref<56x128xi32, #tpu.memory_space<vmem>>
    %dma_wait3A_124 = arith.constant 144 : i32
    %dma_wait3A_125 = tpu.memref_slice %arg4[%dma_wait3A_124, %mul3A_2] : memref<200x4096xi32, #tpu.memory_space<hbm>> -> memref<56x128xi32, #tpu.memory_space<hbm>>
    %dma_wait3A_126 = arith.constant 144 : i32
    %dma_wait3A_127 = tpu.memref_slice %arg4[%dma_wait3A_126, %mul3A_2] : memref<200x4096xi32, #tpu.memory_space<hbm>> -> memref<56x128xi32, #tpu.memory_space<hbm>>
    %dma_wait3A_128 = arith.constant 0 : i32
    %dma_wait3A_129 = arith.constant 0 : i32
    %dma_wait3A_130 = tpu.memref_slice %arg7[%dma_wait3A_128, %dma_wait3A_129] : memref<72x128xi32, #tpu.memory_space<vmem>> -> memref<56x128xi32, #tpu.memory_space<vmem>>
    tpu.wait_dma2 semaphore(%arg12 : memref<!tpu.dma_semaphore, #tpu.memory_space<semaphore_mem>>) src(%dma_wait3A_130 : memref<56x128xi32, #tpu.memory_space<vmem>>) dst(%dma_wait3A_127 : memref<56x128xi32, #tpu.memory_space<hbm>>)
    return
  }
}

</mosaic_0001>

<sc_bundles>
// kernel: kernel.3.cloned.1.call-start
scs
__scs_entry_jumppad:
0x0: {  	(pc) =	sbr.rel $0x88, $3  }
0x1: {  	(tag) =	ssettag $0x0;
	lr =	simm.s32 $0x1  }
0x2: {  	[smem:$0x3F9F] =	sst lr;
	_ =	strace $0xD0000000  }
0x3: {  	_ = 	snop  }
0x4: {  	_ = 	snop  }
0x5: {  	_ = 	snop  }
0x6: {  	_ = 	snop  }
0x7: {  	_ = 	snop  }
__scs_overlays_trampoline_lowered:
0x8: {  	[smem:$0x3FAE] =	sst s0  }
0x9: {  	[smem:$0x3FAF] =	sst s1  }
0xa: {  	[smem:$0x3FB0] =	sst s2  }
0xb: {  	[smem:$0x3FB1] =	sst s3  }
0xc: {  	[smem:$0x3FB2] =	sst s4  }
0xd: {  	[smem:$0x3FB3] =	sst s5  }
0xe: {  	[smem:$0x3FB4] =	sst s6  }
0xf: {  	[smem:$0x3FB5] =	sst s7  }
0x10: {  	[smem:$0x3FB6] =	sst s8  }
0x11: {  	[smem:$0x3FB7] =	sst s9;
	s0 =	simm.s32 @!p0 $0x0  }
0x12: {  	s1 =	sld [smem:$0x3F9D];
	s0 =	simm.s32 @p0 $0x1  }
0x13: {  	[smem:$0x3FB8] =	sst s0;
	s0 =	simm.s32 @!p1 $0x0  }
0x14: {  	s2 =	sld [smem:$0x3F9C];
	s0 =	simm.s32 @p1 $0x1  }
0x15: {  	[smem:$0x3FB9] =	sst s0;
	s0 =	simm.s32 @!p2 $0x0  }
0x16: {  	s3 =	sld [smem:$0x3FDB];
	s0 =	simm.s32 @p2 $0x1  }
0x17: {  	s4 =	simm.s32 $0x1BF5;
	[smem:$0x3FBB] =	sst s0  }
0x18: {  	s0 =	sld [smem:$0x3F9E];
	_ =	swait.ge [sflag:s4], $0x0  }
0x19: {  	s7 =	sld [smem:$0x3F9F]  }
0x1a: {  	s8 =	sadd.s32 $0xFFFFE003, lr  }
0x1b: {  	s9 =	sadd.s32 $0xFFFFFEF7, lr;
	s5 =	simm.s32 $0xFFFFFFFF;
	p2 =	slt.u32 s8, $0xFFFFF086  }
0x1c: {  	p1 =	slt.u32 s9, $0xF7A;
	s5 =	simm.s32 @!p2 $0x0  }
0x1d: {  	s5 =	simm.s32 @p1 $0x1;
	p0 =	seq.s32 s7, s2  }
0x1e: {  	s7 =	smul.u32 @!p0 $0xF7A, s2;
	p2 =	seq.s32 @!p0 s5, $0x0  }
0x1f: {  	s9 =	smul.u32 $0xF7A, s1;
	s8 =	simm.s32 @!p0 $0x1BF5;
	p2 =	por !p2, p0  }
0x20: {  	[sflag:s8] =	ssyncset.s32 @!p0 $0xFFFFF086;
	s6 =	sadd.s32 @!p0 s3, s7;
	s7 =	simm.s32 @!p0 $0x108  }
0x21: {  	s3 =	sadd.s32 s3, s9;
	s6 =	sadd.s32 @!p0 $0x88, s6;
	s7 =	simm.s32 @p2 $0x1082  }
0x22: {  	[simem:s7], [sflag:s8] =	dma.local @!p0 [hbm:s6], $0xF7A  }
0x23: {  	s9 =	sor.u32 $0xD0000000, s2;
	s6 =	simm.s32 $0x108;
	_ =	swait.ge @!p0 [sflag:s8], $0x0  }
0x24: {  	s3 =	sadd.s32 $0x88, s3;
	s6 =	simm.s32 @!p1 $0x1082;
	[sflag:s4] =	ssyncset.s32 $0xFFFFF086  }
0x25: {  	[simem:s6], [sflag:s4] =	dma.local [hbm:s3], $0xF7A  }
0x26: {  	[smem:$0x3F9F] =	sst s1;
	(tag) =	ssettag s2;
	_ =	strace s9  }
0x27: {  	s1 =	sld [smem:$0x3FAF]  }
0x28: {  	s2 =	sld [smem:$0x3FB0]  }
0x29: {  	s4 =	sld [smem:$0x3FB2]  }
0x2a: {  	p0 =	seq.s32 s5, $0x0;
	s5 =	sld [smem:$0x3FB3]  }
0x2b: {  	s6 =	sld [smem:$0x3FB4]  }
0x2c: {  	s7 =	sld [smem:$0x3FB5]  }
0x2d: {  	s3 =	simm.s32 $0x108;
	s8 =	sld [smem:$0x3FB6]  }
0x2e: {  	s3 =	simm.s32 @!p0 $0x1082;
	s9 =	sld [smem:$0x3FB7]  }
0x2f: {  	lr =	sadd.s32 s0, s3;
	s0 =	sld [smem:$0x3FAE]  }
0x30: {  	s3 =	sld [smem:$0x3FB1]  }
0x31: {  	[smem:$0x3FBA] =	sst s10  }
0x32: {  	s10 =	sld [smem:$0x3FB8];
	_ =	sdelay $0x3  }
0x33: {  	p0 =	seq.s32 s10, $0x1;
	s10 =	sld [smem:$0x3FBA];
	_ =	sdelay $0x3  }
0x34: {  	[smem:$0x3FBA] =	sst s10  }
0x35: {  	s10 =	sld [smem:$0x3FB9];
	_ =	sdelay $0x3  }
0x36: {  	p1 =	seq.s32 s10, $0x1;
	s10 =	sld [smem:$0x3FBA];
	_ =	sdelay $0x3  }
0x37: {  	[smem:$0x3FBA] =	sst s10  }
0x38: {  	s10 =	sld [smem:$0x3FBB]  }
0x39: {  	_ = 	snop;
	(pc) =	sbr.ind lr, $3  }
0x3a: {  	_ = 	snop  }
0x3b: {  	_ = 	snop  }
0x3c: {  	p2 =	seq.s32 s10, $0x1;
	s10 =	sld [smem:$0x3FBA]  }
0x3d: {  	_ =	shalt  }
0x3e: {  	_ =	shalt  }
0x3f: {  	_ =	shalt  }
0x40: {  	_ =	shalt  }
0x41: {  	_ =	shalt  }
0x42: {  	_ =	shalt  }
0x43: {  	_ =	shalt  }
0x44: {  	_ =	shalt  }
0x45: {  	_ =	shalt  }
0x46: {  	_ =	shalt  }
0x47: {  	_ =	shalt  }
0x48: {  	_ =	shalt  }
0x49: {  	_ =	shalt  }
0x4a: {  	_ =	shalt  }
0x4b: {  	_ =	shalt  }
0x4c: {  	_ =	shalt  }
0x4d: {  	_ =	shalt  }
0x4e: {  	_ =	shalt  }
0x4f: {  	_ =	shalt  }
0x50: {  	_ =	shalt  }
0x51: {  	_ =	shalt  }
0x52: {  	_ =	shalt  }
0x53: {  	_ =	shalt  }
0x54: {  	_ =	shalt  }
0x55: {  	_ =	shalt  }
0x56: {  	_ =	shalt  }
0x57: {  	_ =	shalt  }
0x58: {  	_ =	shalt  }
0x59: {  	_ =	shalt  }
0x5a: {  	_ =	shalt  }
0x5b: {  	_ =	shalt  }
0x5c: {  	_ =	shalt  }
0x5d: {  	_ =	shalt  }
0x5e: {  	_ =	shalt  }
0x5f: {  	_ =	shalt  }
0x60: {  	_ =	shalt  }
0x61: {  	_ =	shalt  }
0x62: {  	_ =	shalt  }
0x63: {  	_ =	shalt  }
0x64: {  	_ =	shalt  }
0x65: {  	_ =	shalt  }
0x66: {  	_ =	shalt  }
0x67: {  	_ =	shalt  }
0x68: {  	_ =	shalt  }
0x69: {  	_ =	shalt  }
0x6a: {  	_ =	shalt  }
0x6b: {  	_ =	shalt  }
0x6c: {  	_ =	shalt  }
0x6d: {  	_ =	shalt  }
0x6e: {  	_ =	shalt  }
0x6f: {  	_ =	shalt  }
0x70: {  	_ =	shalt  }
0x71: {  	_ =	shalt  }
0x72: {  	_ =	shalt  }
0x73: {  	_ =	shalt  }
0x74: {  	_ =	shalt  }
0x75: {  	_ =	shalt  }
0x76: {  	_ =	shalt  }
0x77: {  	_ =	shalt  }
0x78: {  	_ =	shalt  }
0x79: {  	_ =	shalt  }
0x7a: {  	_ =	shalt  }
0x7b: {  	_ =	shalt  }
0x7c: {  	_ =	shalt  }
0x7d: {  	_ =	shalt  }
0x7e: {  	_ =	shalt  }
0x7f: {  	_ =	shalt  }
0x80: {  	_ =	shalt  }
0x81: {  	_ =	shalt  }
0x82: {  	_ =	shalt  }
0x83: {  	_ =	shalt  }
0x84: {  	_ =	shalt  }
0x85: {  	_ =	shalt  }
0x86: {  	_ =	shalt  }
0x87: {  	_ =	shalt  }
.Lfunc_end0:
.L_simem_size_0:
called_computation_lowered:
.L_overlay_start_0:
0x88: {  	s2 =	sld [smem:$0x3FD9]  }
0x89: {  	s3 =	sld [smem:$0x3FFE];
	_ =	sdelay $0x1  }
0x8a: {  	s1 =	srdreg.scid  }
0x8b: {  	s0 =	sand.u32 $0x1, s1  }
0x8c: {  	s18 =	sshll.u32 s0, $0xA;
	s2 =	sadd.s32 s3, s2  }
0x8d: {  	s2 =	sadd.s32 s2, s18  }
0x8e: {  	[smem:$0x3FC6] =	sst s2  }
0x8f: {  	_ = 	snop  }
0x90: {  	s2 =	sld [smem:$0x3FC9]  }
0x91: {  	s19 =	sld [smem:$0x3FC8]  }
0x92: {  	s4 =	sld [smem:$0x3FD0];
	(tm) =	ssettm $0x1  }
0x93: {  	s5 =	sld [smem:$0x3FFB];
	_ =	sdelay $0x3  }
0x94: {  	_ =	strace s5  }
0x95: {  	s5 =	sld [smem:$0x3FFC];
	_ =	sdelay $0x3  }
0x96: {  	_ =	strace s5  }
0x97: {  	s5 =	sld [smem:$0x3FFD];
	_ =	sdelay $0x3  }
0x98: {  	_ =	strace s5  }
0x99: {  	_ =	strace $0x8FFFFFFF  }
0x9a: {  	s20 =	sld [smem:$0x3FDB];
	_ =	sdelay $0x1  }
0x9b: {  	s6 =	simm.s32 $_scs_section_size  }
0x9c: {  	s7 =	simm.s32 $_size__tile_overlayer_lowered;
	s8 =	simm.s32 $_tile_overlayer_lowered  }
0x9d: {  	s23 =	simm.s32 $0x1BFF;
	s22 =	sshll.u32 s8, $0x1;
	s5 =	sadd.s32 s6, s20  }
0x9e: {  	s9 =	simm.s32 $0x0;
	s21 =	sshll.u32 s7, $0x1;
	s7 =	sadd.s32 s22, s5  }
0x9f: {  	[timem:s9], [sflag:s23] =	dma.local [hbm:s7], s21  }
0xa0: {  	_ =	swait.ge [sflag:s23], s21  }
0xa1: {  	s6 =	ssub.s32 $0x0, s21;
	[sflag:s23] =	ssyncset.done $0x0  }
0xa2: {  	[sflag:s23] =	ssyncadd.s32 s6;
	_ =	sdelay $0x1  }
0xa3: {  	s24 =	simm.s32 $0x1B8B  }
0xa4: {  	_ =	swait.ge [sflag:s24], $0x1  }
0xa5: {  	[sflag:s24] =	ssyncset.done $0x0  }
0xa6: {  	s25 =	simm.s32 $0x1B8E;
	[sflag:s24] =	ssyncadd.s32 $0xFFFFFFFF  }
0xa7: {  	s26 =	simm.s32 $execute0_lowered;
	[smem:$0x3FD2] =	sst s25  }
0xa8: {  	s6 =	sshll.u32 s26, $0x1;
	_ =	strace $0x80000046;
	[dreg:$0x1] =	wrdreg $0xFFFFFFFF  }
0xa9: {  	s28 =	simm.s32 $_size_execute0_lowered;
	s5 =	sadd.s32 s5, s6;
	[dreg:$0x0] =	wrdreg $0x0  }
0xaa: {  	s6 =	sshll.u32 s28, $0x1;
	[dreg:$0x2] =	wrdreg s5  }
0xab: {  	[dreg:$0x3] =	wrdreg s6  }
0xac: {  	[dreg:$0x4] =	wrdreg $0xC0  }
0xad: {  	_ =	task [dreg:s9], $0x5FFFF  }
0xae: {  	[dreg:$0x1] =	wrdreg $0xFFFFFFFF  }
0xaf: {  	[dreg:$0x0] =	wrdreg $0x60  }
0xb0: {  	[dreg:$0x2] =	wrdreg s2  }
0xb1: {  	[dreg:$0x3] =	wrdreg s19  }
0xb2: {  	[dreg:$0x4] =	wrdreg s4  }
0xb3: {  	[dreg:$0x5] =	wrdreg $0x0  }
0xb4: {  	[dreg:$0x6] =	wrdreg $0x9  }
0xb5: {  	_ =	task.clear_ibuf [dreg:s9], $0x7FFFF;
	_ =	strace $0x90000046  }
0xb6: {  	s29 =	simm.s32 $0x9;
	_ =	strace $0x80000048  }
0xb7: {  	_ =	swait.ge [sflag:s29], $0x1  }
0xb8: {  	[sflag:s29] =	ssyncadd.s32 $0xFFFFFFFF  }
0xb9: {  	_ =	strace $0x90000048  }
0xba: {  	_ =	sfence  }
0xbb: {  	s30 =	sld [smem:$0x0];
	_ =	sdelay $0x2  }
0xbc: {  	s31 =	sshll.u32 s1, $0xD;
	s1 =	sshrl.u32 s1, $0x2  }
0xbd: {  	s3 =	sand.u32 $0x4000, s31;
	s1 =	sadd.s32 s1, s30  }
0xbe: {  	s0 =	sor.u32 s3, s0;
	s1 =	sshll.u32 s1, $0x11  }
0xbf: {  	s0 =	sor.u32 s1, s0  }
0xc0: {  	s0 =	sadd.s32 $0x8F2B, s0  }
0xc1: {  	[sflag:s0] =	ssyncadd.remote.s32 $0x1  }
0xc2: {  	_ =	sfence.sel $0xFFFF  }
0xc3: {  	[dreg:$0x0] =	wrdreg $0xFFFFFFFF;
	(pc) =	sbr.abs _section_cstart, $3  }
0xc4: {  	[dreg:$0x1] =	wrdreg $0xFFFFFFFF  }
0xc5: {  	_ =	task.clear_ibuf [dreg:s9], $0x2FFFF;
	_ =	strace $0x9FFFFFFF  }
0xc6: {  	(tm) =	ssettm $0x7FFFFFFF  }
0xc7: {  	_ =	shalt  }
tec
execute0_lowered:
.L_overlay_start_1:
0x0: {  	(tag) =	ssettag $0x1  }
0x1: {  	s8 =	rddreg [dreg:$0x0]  }
0x2: {  	s1 =	rddreg [dreg:$0x1]  }
0x3: {  	s9 =	rddreg [dreg:$0x2]  }
0x4: {  	s2 =	rddreg [dreg:$0x3]  }
0x5: {  	s0 =	rddreg [dreg:$0x4];
	s4 =	srdreg.scid  }
0x6: {  	s3 =	simm.s32 $0x0;
	s11 =	stileid.u32;
	s13 =	simm.s32 $0x19F70  }
0x7: {  	s14 =	simm.s32 $0x1C370;
	s16 =	simm.s32 $0x1870;
	s17 =	simm.s32 $0x1  }
0x8: {  	s18 =	simm.s32 $0x2;
	s19 =	simm.s32 $0x3;
	s20 =	simm.s32 $0x4  }
0x9: {  	s21 =	simm.s32 $0x5;
	s22 =	simm.s32 $0x0;
	s4 =	sand.u32 $0x1, s4  }
0xa: {  	s6 =	sshll.u32 s11, $0x8;
	[smem:$0x7FF] =	sst s3;
	p0 =	sne.s32 s11, $0x0  }
0xb: {  	s11 =	simm.s32 $0x400;
	s5 =	ssub.s32 $0x2, s4;
	s4 =	sshll.u32 s4, $0x7  }
0xc: {  	_ =	strace $0x80000047;
	s7 =	sshrl.u32 s5, $0x1;
	s6 =	sor.u32 s4, s6  }
0xd: {  	v0 =	vlaneseq.u32;
	s15 =	sshrl.u32 @!p0 s2, $0x3;
	s10 =	ssub.s32 s5, s7;
	s31 =	sor.u32 $0x9000, s6  }
0xe: {  	v1 =	vor.u32 $0x10, v0;
	s4 =	sadd.s32 s8, s6;
	s12 =	sor.u32 $0x12000, s6;
	s6 =	sadd.s32 s9, s6  }
0xf: {  	v2 =	vor.u32 $0x20, v0;
	v3 =	vor.u32 $0x30, v0;
	v4 =	vor.u32 $0x40, v0;
	s5 =	sadd.s32 s8, s31;
	s7 =	sadd.s32 s9, s31;
	s8 =	sadd.s32 s8, s12  }
0x10: {  	v5 =	vor.u32 $0x50, v0;
	v6 =	vor.u32 $0x60, v0;
	v7 =	vor.u32 $0x70, v0;
	s9 =	sadd.s32 s9, s12;
	s10 =	smax.u32 s10, $0x1;
	s12 =	simm.s32 $0x8000  }
.LBB2_1:
0x11: {  	[tilespmem:s13], [sflag:$0x2] =	stream.strided.gather [hbm4b:s4+s11], $0x2400, s12, s11, $0x38;
	[tilespmem:$0x1E770] =	vst v63  }
0x12: {  	s23 =	simm.s32 @!p0 $0x1C06  }
0x13: {  	[tilespmem:s14], [sflag:$0x3] =	stream.strided.gather [hbm4b:s5+s11], $0x2400, s12, s11, $0x38;
	[tilespmem:$0x1E770] =	vst v63  }
0x14: {  	[spmem:s15], [sflag:s23] =	dma.local @!p0 [hbm:s1], $0x30E0  }
0x15: {  	s23 =	simm.s32 @!p0 $0x6  }
0x16: {  	_ =	swait.ge @!p0 [sflag:s23], $0x30E0  }
0x17: {  	v8 =	vmov s3;
	[sflag:s23] =	ssyncset.done @!p0 $0x0  }
0x18: {  	v8 =	vshrl.u32 v8, $0x7;
	[sflag:s23] =	ssyncadd.s32 @!p0 $0xFFFFCF20  }
0x19: {  	v8 =	vshll.u32 v8, $0x7;
	[bflag:$0x0] =	sbarrier.arrive $0xFFFF  }
0x1a: {  	v14 =	vbroadcast v8, $0x0;
	[tilespmem:s16], [sflag:$0x1] =	stream.linear.gather [spmem:s2], $0x18700, $0x38;
	[tilespmem:$0x1E770] =	vst v63  }
0x1b: {  	_ =	swait.ge [sflag:s17], $0x18700  }
0x1c: {  	v12 =	vor.u32 v7, v14;
	[sflag:s17] =	ssyncset.done $0x0  }
0x1d: {  	v13 =	vor.u32 v0, v14;
	[sflag:s17] =	ssyncadd.s32 $0xFFFE7900  }
0x1e: {  	v9 =	vor.u32 v1, v14;
	_ =	swait.ge [sflag:s18], $0x2400  }
0x1f: {  	v10 =	vor.u32 v2, v14;
	[sflag:s18] =	ssyncset.done $0x0  }
0x20: {  	v11 =	vor.u32 v3, v14;
	[sflag:s18] =	ssyncadd.s32 $0xFFFFDC00  }
0x21: {  	v8 =	vor.u32 v4, v14;
	v17 =	vld.idx.msk [tilespmem:v12+s13+$0x0], $0xffff  }
0x22: {  	v18 =	vor.u32 v5, v14;
	v19 =	vld.idx.msk [tilespmem:v13+s13+$0x0], $0xffff  }
0x23: {  	v16 =	vor.u32 v6, v14;
	v21 =	vld.idx.msk [tilespmem:v9+s13+$0x0], $0xffff  }
0x24: {  	v20 =	vld.idx.msk [tilespmem:v10+s13+$0x0], $0xffff  }
0x25: {  	v22 =	vld.idx.msk [tilespmem:v11+s13+$0x0], $0xffff  }
0x26: {  	s24 =	simm.s32 $0x80;
	s23 =	simm.s32 $0x0;
	v15 =	vmov v16;
	v14 =	vmov v18;
	v23 =	vld.idx.msk [tilespmem:v8+s13+$0x0], $0xffff  }
.LBB2_2:
0x27: {  	v24 =	vmov s24;
	s23 =	sadd.s32 $0x8, s23;
	v25 =	vld.idx.msk [tilespmem:v18+s13+$0x0], $0xffff  }
0x28: {  	v18 =	vshrl.u32 v24, $0x7;
	p1 =	slt.u32 s23, $0x238;
	v24 =	vld.idx.msk [tilespmem:v16+s13+$0x0], $0xffff  }
0x29: {  	v16 =	vshll.u32 v18, $0x7;
	v17 =	vld.idx.msk [tilespmem:v17+s16+$0x0], $0xffff  }
0x2a: {  	v16 =	vbroadcast v16, $0x0;
	v19 =	vld.idx.msk [tilespmem:v19+s16+$0x0], $0xffff  }
0x2b: {  	v21 =	vld.idx.msk [tilespmem:v21+s16+$0x0], $0xffff  }
0x2c: {  	v26 =	vor.u32 v0, v16;
	v27 =	vor.u32 v1, v16;
	v28 =	vor.u32 v7, v16;
	v20 =	vld.idx.msk [tilespmem:v20+s16+$0x0], $0xffff  }
0x2d: {  	v29 =	vor.u32 v2, v16;
	v30 =	vor.u32 v3, v16;
	v31 =	vor.u32 v4, v16;
	v22 =	vld.idx.msk [tilespmem:v22+s16+$0x0], $0xffff  }
0x2e: {  	v18 =	vor.u32 v5, v16;
	v16 =	vor.u32 v6, v16;
	v23 =	vld.idx.msk [tilespmem:v23+s16+$0x0], $0xffff  }
0x2f: {  	v25 =	vld.idx.msk [tilespmem:v25+s16+$0x0], $0xffff;
	[tilespmem:v12+s13+$0x0] =	vst.idx.msk $0xffff, v17;
	v12 =	vmov v28  }
0x30: {  	[tilespmem:v13+s13+$0x0] =	vst.idx.msk $0xffff, v19;
	v24 =	vld.idx.msk [tilespmem:v24+s16+$0x0], $0xffff;
	v13 =	vmov v26  }
0x31: {  	v17 =	vld.idx.msk [tilespmem:v28+s13+$0x0], $0xffff;
	[tilespmem:v9+s13+$0x0] =	vst.idx.msk $0xffff, v21;
	v9 =	vmov v27  }
.Ltmp0:
0x32: {  	v19 =	vld.idx.msk [tilespmem:v26+s13+$0x0], $0xffff;
	[tilespmem:v10+s13+$0x0] =	vst.idx.msk $0xffff, v20;
	v10 =	vmov v29;
	(pc) =	sbr.rel @p1 .LBB2_2-.Ltmp0, $4  }
0x33: {  	v21 =	vld.idx.msk [tilespmem:v27+s13+$0x0], $0xffff;
	[tilespmem:v11+s13+$0x0] =	vst.idx.msk $0xffff, v22;
	v11 =	vmov v30  }
0x34: {  	v20 =	vld.idx.msk [tilespmem:v29+s13+$0x0], $0xffff;
	[tilespmem:v8+s13+$0x0] =	vst.idx.msk $0xffff, v23;
	v8 =	vmov v31  }
0x35: {  	v22 =	vld.idx.msk [tilespmem:v30+s13+$0x0], $0xffff;
	[tilespmem:v14+s13+$0x0] =	vst.idx.msk $0xffff, v25;
	v14 =	vmov v18  }
0x36: {  	s24 =	sadd.s32 $0x80, s24;
	v23 =	vld.idx.msk [tilespmem:v31+s13+$0x0], $0xffff;
	[tilespmem:v15+s13+$0x0] =	vst.idx.msk $0xffff, v24;
	v15 =	vmov v16  }
0x37: {  	_ =	sdelay $0x3  }
0x38: {  	v18 =	vld.idx.msk [tilespmem:v18+s13+$0x0], $0xffff  }
0x39: {  	v16 =	vld.idx.msk [tilespmem:v16+s13+$0x0], $0xffff  }
0x3a: {  	v17 =	vld.idx.msk [tilespmem:v17+s16+$0x0], $0xffff  }
0x3b: {  	v19 =	vld.idx.msk [tilespmem:v19+s16+$0x0], $0xffff  }
0x3c: {  	v21 =	vld.idx.msk [tilespmem:v21+s16+$0x0], $0xffff  }
0x3d: {  	v20 =	vld.idx.msk [tilespmem:v20+s16+$0x0], $0xffff  }
0x3e: {  	v22 =	vld.idx.msk [tilespmem:v22+s16+$0x0], $0xffff  }
0x3f: {  	v23 =	vld.idx.msk [tilespmem:v23+s16+$0x0], $0xffff;
	[tilespmem:v12+s13+$0x0] =	vst.idx.msk $0xffff, v17  }
0x40: {  	s23 =	simm.s32 $0x0;
	[tilespmem:v13+s13+$0x0] =	vst.idx.msk $0xffff, v19;
	v12 =	vld.idx.msk [tilespmem:v18+s16+$0x0], $0xffff  }
0x41: {  	[tilespmem:v9+s13+$0x0] =	vst.idx.msk $0xffff, v21;
	v9 =	vmov s23;
	v13 =	vld.idx.msk [tilespmem:v16+s16+$0x0], $0xffff  }
0x42: {  	[tilespmem:v10+s13+$0x0] =	vst.idx.msk $0xffff, v20;
	v9 =	vshrl.u32 v9, $0x7  }
0x43: {  	[tilespmem:v11+s13+$0x0] =	vst.idx.msk $0xffff, v22;
	v9 =	vshll.u32 v9, $0x7  }
0x44: {  	[tilespmem:v8+s13+$0x0] =	vst.idx.msk $0xffff, v23;
	v16 =	vbroadcast v9, $0x0  }
0x45: {  	[tilespmem:v14+s13+$0x0] =	vst.idx.msk $0xffff, v12  }
0x46: {  	v8 =	vor.u32 v7, v16;
	[tilespmem:v15+s13+$0x0] =	vst.idx.msk $0xffff, v13  }
0x47: {  	v10 =	vor.u32 v0, v16;
	[hbm4b:s6+s11] =	stream.strided.scatter [tilespmem:s13], [sflag:$0x4], $0x2400, s12, s11, $0x38;
	[tilespmem:$0x1E770] =	vst v63  }
0x48: {  	v9 =	vor.u32 v1, v16;
	_ =	swait.ge [sflag:s19], $0x2400  }
0x49: {  	v11 =	vor.u32 v2, v16;
	[sflag:s19] =	ssyncset.done $0x0  }
0x4a: {  	v12 =	vor.u32 v3, v16;
	[sflag:s19] =	ssyncadd.s32 $0xFFFFDC00  }
0x4b: {  	v13 =	vor.u32 v4, v16;
	v17 =	vld.idx.msk [tilespmem:v8+s14+$0x0], $0xffff  }
0x4c: {  	v18 =	vor.u32 v5, v16;
	v19 =	vld.idx.msk [tilespmem:v10+s14+$0x0], $0xffff  }
0x4d: {  	v16 =	vor.u32 v6, v16;
	v21 =	vld.idx.msk [tilespmem:v9+s14+$0x0], $0xffff  }
0x4e: {  	v20 =	vld.idx.msk [tilespmem:v11+s14+$0x0], $0xffff  }
0x4f: {  	v22 =	vld.idx.msk [tilespmem:v12+s14+$0x0], $0xffff  }
0x50: {  	s24 =	simm.s32 $0x80;
	s23 =	simm.s32 $0x0;
	v15 =	vmov v18;
	v14 =	vmov v16;
	v23 =	vld.idx.msk [tilespmem:v13+s14+$0x0], $0xffff  }
.LBB2_4:
0x51: {  	v24 =	vmov s24;
	s23 =	sadd.s32 $0x8, s23;
	v25 =	vld.idx.msk [tilespmem:v18+s14+$0x0], $0xffff  }
0x52: {  	v18 =	vshrl.u32 v24, $0x7;
	p1 =	slt.u32 s23, $0x238;
	v24 =	vld.idx.msk [tilespmem:v16+s14+$0x0], $0xffff  }
0x53: {  	v16 =	vshll.u32 v18, $0x7;
	v17 =	vld.idx.msk [tilespmem:v17+s16+$0x0], $0xffff  }
0x54: {  	v16 =	vbroadcast v16, $0x0;
	v19 =	vld.idx.msk [tilespmem:v19+s16+$0x0], $0xffff  }
0x55: {  	v21 =	vld.idx.msk [tilespmem:v21+s16+$0x0], $0xffff  }
0x56: {  	v26 =	vor.u32 v0, v16;
	v27 =	vor.u32 v1, v16;
	v28 =	vor.u32 v7, v16;
	v20 =	vld.idx.msk [tilespmem:v20+s16+$0x0], $0xffff  }
0x57: {  	v29 =	vor.u32 v2, v16;
	v30 =	vor.u32 v3, v16;
	v31 =	vor.u32 v4, v16;
	v22 =	vld.idx.msk [tilespmem:v22+s16+$0x0], $0xffff  }
0x58: {  	v18 =	vor.u32 v5, v16;
	v16 =	vor.u32 v6, v16;
	v23 =	vld.idx.msk [tilespmem:v23+s16+$0x0], $0xffff  }
0x59: {  	v25 =	vld.idx.msk [tilespmem:v25+s16+$0x0], $0xffff;
	[tilespmem:v8+s14+$0x0] =	vst.idx.msk $0xffff, v17;
	v8 =	vmov v28  }
0x5a: {  	[tilespmem:v10+s14+$0x0] =	vst.idx.msk $0xffff, v19;
	v24 =	vld.idx.msk [tilespmem:v24+s16+$0x0], $0xffff;
	v10 =	vmov v26  }
0x5b: {  	v17 =	vld.idx.msk [tilespmem:v28+s14+$0x0], $0xffff;
	[tilespmem:v9+s14+$0x0] =	vst.idx.msk $0xffff, v21;
	v9 =	vmov v27  }
.Ltmp1:
0x5c: {  	v19 =	vld.idx.msk [tilespmem:v26+s14+$0x0], $0xffff;
	[tilespmem:v11+s14+$0x0] =	vst.idx.msk $0xffff, v20;
	v11 =	vmov v29;
	(pc) =	sbr.rel @p1 .LBB2_4-.Ltmp1, $4  }
0x5d: {  	v21 =	vld.idx.msk [tilespmem:v27+s14+$0x0], $0xffff;
	[tilespmem:v12+s14+$0x0] =	vst.idx.msk $0xffff, v22;
	v12 =	vmov v30  }
0x5e: {  	v20 =	vld.idx.msk [tilespmem:v29+s14+$0x0], $0xffff;
	[tilespmem:v13+s14+$0x0] =	vst.idx.msk $0xffff, v23;
	v13 =	vmov v31  }
0x5f: {  	v22 =	vld.idx.msk [tilespmem:v30+s14+$0x0], $0xffff;
	[tilespmem:v15+s14+$0x0] =	vst.idx.msk $0xffff, v25;
	v15 =	vmov v18  }
0x60: {  	s24 =	sadd.s32 $0x80, s24;
	v23 =	vld.idx.msk [tilespmem:v31+s14+$0x0], $0xffff;
	[tilespmem:v14+s14+$0x0] =	vst.idx.msk $0xffff, v24;
	v14 =	vmov v16  }
0x61: {  	_ =	sdelay $0x3  }
0x62: {  	v18 =	vld.idx.msk [tilespmem:v18+s14+$0x0], $0xffff  }
0x63: {  	v16 =	vld.idx.msk [tilespmem:v16+s14+$0x0], $0xffff  }
0x64: {  	v17 =	vld.idx.msk [tilespmem:v17+s16+$0x0], $0xffff  }
0x65: {  	v19 =	vld.idx.msk [tilespmem:v19+s16+$0x0], $0xffff  }
0x66: {  	v21 =	vld.idx.msk [tilespmem:v21+s16+$0x0], $0xffff  }
0x67: {  	v20 =	vld.idx.msk [tilespmem:v20+s16+$0x0], $0xffff  }
0x68: {  	v22 =	vld.idx.msk [tilespmem:v22+s16+$0x0], $0xffff  }
0x69: {  	v23 =	vld.idx.msk [tilespmem:v23+s16+$0x0], $0xffff;
	[tilespmem:v8+s14+$0x0] =	vst.idx.msk $0xffff, v17  }
0x6a: {  	[tilespmem:v10+s14+$0x0] =	vst.idx.msk $0xffff, v19;
	v8 =	vld.idx.msk [tilespmem:v18+s16+$0x0], $0xffff  }
0x6b: {  	[tilespmem:v9+s14+$0x0] =	vst.idx.msk $0xffff, v21;
	v10 =	vld.idx.msk [tilespmem:v16+s16+$0x0], $0xffff  }
0x6c: {  	[tilespmem:v11+s14+$0x0] =	vst.idx.msk $0xffff, v20  }
0x6d: {  	[tilespmem:v12+s14+$0x0] =	vst.idx.msk $0xffff, v22  }
0x6e: {  	s23 =	simm.s32 $0x0;
	[tilespmem:v13+s14+$0x0] =	vst.idx.msk $0xffff, v23  }
0x6f: {  	[tilespmem:v15+s14+$0x0] =	vst.idx.msk $0xffff, v8;
	v8 =	vmov s23  }
0x70: {  	[tilespmem:v14+s14+$0x0] =	vst.idx.msk $0xffff, v10;
	v8 =	vshrl.u32 v8, $0x7  }
0x71: {  	[hbm4b:s7+s11] =	stream.strided.scatter [tilespmem:s14], [sflag:$0x5], $0x2400, s12, s11, $0x38;
	v8 =	vshll.u32 v8, $0x7;
	[tilespmem:$0x1E770] =	vst v63  }
0x72: {  	_ =	swait.ge [sflag:s20], $0x2400;
	v14 =	vbroadcast v8, $0x0  }
0x73: {  	[sflag:s20] =	ssyncset.done $0x0  }
0x74: {  	[sflag:s20] =	ssyncadd.s32 $0xFFFFDC00;
	v8 =	vor.u32 v7, v14  }
0x75: {  	[tilespmem:s13], [sflag:$0x2] =	stream.strided.gather [hbm4b:s8+s11], $0x1C00, s12, s11, $0x38;
	v10 =	vor.u32 v0, v14;
	[tilespmem:$0x1E770] =	vst v63  }
0x76: {  	v9 =	vor.u32 v1, v14;
	_ =	swait.ge [sflag:s18], $0x1C00  }
0x77: {  	v11 =	vor.u32 v2, v14;
	[sflag:s18] =	ssyncset.done $0x0  }
0x78: {  	v12 =	vor.u32 v3, v14;
	[sflag:s18] =	ssyncadd.s32 $0xFFFFE400  }
0x79: {  	v13 =	vor.u32 v4, v14;
	v17 =	vld.idx.msk [tilespmem:v8+s13+$0x0], $0xffff  }
0x7a: {  	v18 =	vor.u32 v5, v14;
	v19 =	vld.idx.msk [tilespmem:v10+s13+$0x0], $0xffff  }
0x7b: {  	v16 =	vor.u32 v6, v14;
	v21 =	vld.idx.msk [tilespmem:v9+s13+$0x0], $0xffff  }
0x7c: {  	v20 =	vld.idx.msk [tilespmem:v11+s13+$0x0], $0xffff  }
0x7d: {  	v22 =	vld.idx.msk [tilespmem:v12+s13+$0x0], $0xffff  }
0x7e: {  	s24 =	simm.s32 $0x80;
	s23 =	simm.s32 $0x0;
	v15 =	vmov v16;
	v14 =	vmov v18;
	v23 =	vld.idx.msk [tilespmem:v13+s13+$0x0], $0xffff  }
.LBB2_6:
0x7f: {  	v24 =	vmov s24;
	s23 =	sadd.s32 $0x8, s23;
	v25 =	vld.idx.msk [tilespmem:v18+s13+$0x0], $0xffff  }
0x80: {  	v18 =	vshrl.u32 v24, $0x7;
	p1 =	slt.u32 s23, $0x1B8;
	v24 =	vld.idx.msk [tilespmem:v16+s13+$0x0], $0xffff  }
0x81: {  	v16 =	vshll.u32 v18, $0x7;
	v17 =	vld.idx.msk [tilespmem:v17+s16+$0x0], $0xffff  }
0x82: {  	v16 =	vbroadcast v16, $0x0;
	v19 =	vld.idx.msk [tilespmem:v19+s16+$0x0], $0xffff  }
0x83: {  	v21 =	vld.idx.msk [tilespmem:v21+s16+$0x0], $0xffff  }
0x84: {  	v26 =	vor.u32 v0, v16;
	v27 =	vor.u32 v1, v16;
	v28 =	vor.u32 v7, v16;
	v20 =	vld.idx.msk [tilespmem:v20+s16+$0x0], $0xffff  }
0x85: {  	v29 =	vor.u32 v2, v16;
	v30 =	vor.u32 v3, v16;
	v31 =	vor.u32 v4, v16;
	v22 =	vld.idx.msk [tilespmem:v22+s16+$0x0], $0xffff  }
0x86: {  	v18 =	vor.u32 v5, v16;
	v16 =	vor.u32 v6, v16;
	v23 =	vld.idx.msk [tilespmem:v23+s16+$0x0], $0xffff  }
0x87: {  	v25 =	vld.idx.msk [tilespmem:v25+s16+$0x0], $0xffff;
	[tilespmem:v8+s13+$0x0] =	vst.idx.msk $0xffff, v17;
	v8 =	vmov v28  }
0x88: {  	[tilespmem:v10+s13+$0x0] =	vst.idx.msk $0xffff, v19;
	v24 =	vld.idx.msk [tilespmem:v24+s16+$0x0], $0xffff;
	v10 =	vmov v26  }
0x89: {  	v17 =	vld.idx.msk [tilespmem:v28+s13+$0x0], $0xffff;
	[tilespmem:v9+s13+$0x0] =	vst.idx.msk $0xffff, v21;
	v9 =	vmov v27  }
.Ltmp2:
0x8a: {  	v19 =	vld.idx.msk [tilespmem:v26+s13+$0x0], $0xffff;
	[tilespmem:v11+s13+$0x0] =	vst.idx.msk $0xffff, v20;
	v11 =	vmov v29;
	(pc) =	sbr.rel @p1 .LBB2_6-.Ltmp2, $4  }
0x8b: {  	v21 =	vld.idx.msk [tilespmem:v27+s13+$0x0], $0xffff;
	[tilespmem:v12+s13+$0x0] =	vst.idx.msk $0xffff, v22;
	v12 =	vmov v30  }
0x8c: {  	v20 =	vld.idx.msk [tilespmem:v29+s13+$0x0], $0xffff;
	[tilespmem:v13+s13+$0x0] =	vst.idx.msk $0xffff, v23;
	v13 =	vmov v31  }
0x8d: {  	v22 =	vld.idx.msk [tilespmem:v30+s13+$0x0], $0xffff;
	[tilespmem:v14+s13+$0x0] =	vst.idx.msk $0xffff, v25;
	v14 =	vmov v18  }
0x8e: {  	s24 =	sadd.s32 $0x80, s24;
	v23 =	vld.idx.msk [tilespmem:v31+s13+$0x0], $0xffff;
	[tilespmem:v15+s13+$0x0] =	vst.idx.msk $0xffff, v24;
	v15 =	vmov v16  }
0x8f: {  	_ =	sdelay $0x3  }
0x90: {  	v18 =	vld.idx.msk [tilespmem:v18+s13+$0x0], $0xffff  }
0x91: {  	v16 =	vld.idx.msk [tilespmem:v16+s13+$0x0], $0xffff  }
0x92: {  	v17 =	vld.idx.msk [tilespmem:v17+s16+$0x0], $0xffff  }
0x93: {  	v19 =	vld.idx.msk [tilespmem:v19+s16+$0x0], $0xffff  }
0x94: {  	v21 =	vld.idx.msk [tilespmem:v21+s16+$0x0], $0xffff  }
0x95: {  	v20 =	vld.idx.msk [tilespmem:v20+s16+$0x0], $0xffff  }
0x96: {  	v22 =	vld.idx.msk [tilespmem:v22+s16+$0x0], $0xffff  }
0x97: {  	v23 =	vld.idx.msk [tilespmem:v23+s16+$0x0], $0xffff;
	[tilespmem:v8+s13+$0x0] =	vst.idx.msk $0xffff, v17  }
0x98: {  	[tilespmem:v10+s13+$0x0] =	vst.idx.msk $0xffff, v19;
	v8 =	vld.idx.msk [tilespmem:v18+s16+$0x0], $0xffff  }
0x99: {  	[tilespmem:v9+s13+$0x0] =	vst.idx.msk $0xffff, v21;
	v63 =	vld.idx.msk [tilespmem:v16+s16+$0x0], $0xffff  }
0x9a: {  	[tilespmem:v11+s13+$0x0] =	vst.idx.msk $0xffff, v20  }
0x9b: {  	[tilespmem:v12+s13+$0x0] =	vst.idx.msk $0xffff, v22  }
0x9c: {  	[tilespmem:v13+s13+$0x0] =	vst.idx.msk $0xffff, v23  }
0x9d: {  	[tilespmem:v14+s13+$0x0] =	vst.idx.msk $0xffff, v8  }
0x9e: {  	s22 =	sadd.s32 $0x1, s22;
	[tilespmem:v15+s13+$0x0] =	vst.idx.msk $0xffff, v63  }
0x9f: {  	[hbm4b:s9+s11] =	stream.strided.scatter [tilespmem:s13], [sflag:$0x4], $0x1C00, s12, s11, $0x38;
	[tilespmem:$0x1E770] =	vst v63  }
0xa0: {  	p1 =	sne.s32 s22, s10;
	_ =	swait.ge [sflag:s21], $0x2400  }
.Ltmp3:
0xa1: {  	[sflag:s21] =	ssyncset.done $0x0;
	(pc) =	sbr.rel @p1 .LBB2_1-.Ltmp3, $4  }
0xa2: {  	[sflag:s21] =	ssyncadd.s32 $0xFFFFDC00  }
0xa3: {  	_ =	swait.ge [sflag:s20], $0x1C00  }
0xa4: {  	[sflag:s20] =	ssyncset.done $0x0  }
0xa5: {  	[sflag:s20] =	ssyncadd.s32 $0xFFFFE400  }
0xa6: {  	_ =	sfence.sel $0x180000  }
0xa7: {  	[bflag:$0x0] =	sbarrier.arrive $0xFFFF  }
0xa8: {  	_ =	strace $0x90000047  }
0xa9: {  	s0 =	sadd.s32 @!p0 $0x100000, s0;
	[bflag:$0x2] =	sbarrier.arrive $0xFFFF  }
0xaa: {  	[sflag:s0] =	ssyncadd.tile.s32 @!p0 $0x1;
	_ =	shalt  }
.Lfunc_end2:
_tile_overlayer_lowered:
.L_overlay_start_2:
0xab: {  	(tag) =	ssettag $0x2  }
0xac: {  	s0 =	rddreg [dreg:$0x0];
	s2 =	stileid.u32  }
0xad: {  	s1 =	rddreg [dreg:$0x1];
	p0 =	sne.s32 s2, $0x0  }
0xae: {  	s3 =	rddreg [dreg:$0x2];
	[bflag:$0x3] =	sbarrier.arrive $0xFFFF;
	s2 =	simm.s32 @!p0 $0x1C06  }
0xaf: {  	[timem:s3], [sflag:s2] =	dma.local @!p0 [hbm:s0], s1  }
0xb0: {  	s0 =	simm.s32 @!p0 $0x6  }
0xb1: {  	_ =	swait.ge @!p0 [sflag:s0], s1  }
0xb2: {  	s1 =	ssub.s32 @!p0 $0x0, s1;
	[sflag:s0] =	ssyncset.done @!p0 $0x0  }
0xb3: {  	[sflag:s0] =	ssyncadd.s32 @!p0 s1  }
0xb4: {  	[bflag:$0x3] =	sbarrier.arrive $0xFFFF  }
0xb5: {  	_ =	shalt  }

</sc_bundles>
